<compile_context>
chip_gen: v7x
topology: tpu7x:2x2x1
jax: 0.10.2.dev20260603
libtpu: 0.0.44.dev20260713+nightly
codegen_flags: <defaults>
</compile_context>

<pallas_src>
import jax
import jax.numpy as jnp
from jax.experimental import pallas as pl

_B, _N = 32, 4096
_G = 256
_K = 32


def _fps_kernel(xs_ref, ys_ref, zs_ref, fidx_ref, cx_ref, cy_ref, cz_ref):
    xs = xs_ref[...]
    ys = ys_ref[...]
    zs = zs_ref[...]
    iota = jax.lax.broadcasted_iota(jnp.int32, (_B, _N), 1)
    iota_g = jax.lax.broadcasted_iota(jnp.int32, (_B, _G), 1)

    fidx_ref[...] = jnp.zeros((_B, _G), jnp.int32)
    cx_ref[...] = jnp.zeros((_B, _G), jnp.float32)
    cy_ref[...] = jnp.zeros((_B, _G), jnp.float32)
    cz_ref[...] = jnp.zeros((_B, _G), jnp.float32)

    def body(i, state):
        dists, farthest = state
        mask = iota == farthest
        cx = jnp.sum(jnp.where(mask, xs, 0.0), axis=1, keepdims=True)
        cy = jnp.sum(jnp.where(mask, ys, 0.0), axis=1, keepdims=True)
        cz = jnp.sum(jnp.where(mask, zs, 0.0), axis=1, keepdims=True)
        dx = xs - cx
        dy = ys - cy
        dz = zs - cz
        d = dx * dx + dy * dy + dz * dz
        dists = jnp.minimum(dists, d)
        slot_i = (iota_g == i).astype(jnp.int32)
        slot_f = slot_i.astype(jnp.float32)
        fidx_ref[...] = fidx_ref[...] + slot_i * farthest
        cx_ref[...] = cx_ref[...] + slot_f * cx
        cy_ref[...] = cy_ref[...] + slot_f * cy
        cz_ref[...] = cz_ref[...] + slot_f * cz
        new_far = jnp.argmax(dists, axis=1).astype(jnp.int32)[:, None]
        return dists, new_far

    dists0 = jnp.full((_B, _N), 1e10, dtype=jnp.float32)
    far0 = jnp.zeros((_B, 1), jnp.int32)
    jax.lax.fori_loop(0, _G, body, (dists0, far0))


def kernel(xyz):
    xt = jnp.transpose(xyz, (2, 0, 1))
    xs, ys, zs = xt[0], xt[1], xt[2]
    fidx, cx, cy, cz = pl.pallas_call(
        _fps_kernel,
        out_shape=[
            jax.ShapeDtypeStruct((_B, _G), jnp.int32),
            jax.ShapeDtypeStruct((_B, _G), jnp.float32),
            jax.ShapeDtypeStruct((_B, _G), jnp.float32),
            jax.ShapeDtypeStruct((_B, _G), jnp.float32),
        ],
    )(xs, ys, zs)
    del fidx
    center = jnp.stack([cx, cy, cz], axis=-1)
    d = (
        jnp.sum(center**2, axis=-1, keepdims=True)
        + jnp.sum(xyz**2, axis=-1)[:, None, :]
        - 2.0 * jnp.einsum("bgd,bnd->bgn", center, xyz)
    )
    _, idx = jax.lax.top_k(-d, _K)
    return (idx, center)

# --- scband reference (transcript-rebuilt; emitter-appended) ---
"""Pipeline reference for scband-group-2199023255674 (READ-ONLY COPY).

The authoritative reference and input builder live on the scoring server;
editing this copy changes nothing except your own understanding.
"""

import jax, jax.numpy as jnp
import numpy as np

B, N = 32, 4096
NUM_GROUP = 256
GROUP_SIZE = 32


def setup_inputs(seed: int = 0):
    key = jax.random.key(seed)
    xyz = jax.random.normal(key, (B, N, 3), dtype=jnp.float32)
    return {"xyz": xyz}


def _fps(xyz, n_samples):
    # farthest point sampling: returns int32 indices [B, n_samples]
    Bb, Nn, _ = xyz.shape
    dists0 = jnp.full((Bb, Nn), 1e10, dtype=xyz.dtype)
    farthest0 = jnp.zeros((Bb,), dtype=jnp.int32)
    idxs0 = jnp.zeros((Bb, n_samples), dtype=jnp.int32)

    def body(i, state):
        dists, farthest, idxs = state
        idxs = idxs.at[:, i].set(farthest)
        centroid = jnp.take_along_axis(xyz, farthest[:, None, None].astype(jnp.int32) * jnp.ones((1, 1, 3), dtype=jnp.int32), axis=1)  # [B,1,3]
        d = jnp.sum((xyz - centroid) ** 2, axis=-1)  # [B,N]
        dists = jnp.minimum(dists, d)
        farthest = jnp.argmax(dists, axis=-1).astype(jnp.int32)
        return (dists, farthest, idxs)

    _, _, idxs = jax.lax.fori_loop(0, n_samples, body, (dists0, farthest0, idxs0))
    return idxs


def _knn_idx(ref, query, k):
    # ref: [B,N,3] reference points; query: [B,G,3]; returns idx [B,G,k] into ref
    d = (
        jnp.sum(query ** 2, axis=-1, keepdims=True)
        + jnp.sum(ref ** 2, axis=-1)[:, None, :]
        - 2.0 * jnp.einsum("bgd,bnd->bgn", query, ref)
    )  # [B,G,N]
    _, idx = jax.lax.top_k(-d, k)
    return idx


def reference(xyz):
    fidx = _fps(xyz, NUM_GROUP)  # [B,G]
    Bb, G = fidx.shape
    center = jnp.take_along_axis(
        xyz, jnp.broadcast_to(fidx[:, :, None], (Bb, G, 3)), axis=1
    )  # [B,G,3]
    idx = _knn_idx(xyz, center, GROUP_SIZE)  # [B,G,k]
    return (idx, center)

if __name__ == "__main__":
    import jax
    _d = setup_inputs()
    print(jax.jit(kernel)(*tuple(_d.values())))

</pallas_src>

<mosaic_0001>
module attributes {stable_mosaic.version = 14 : i64} {
  func.func @_fps_kernel(%arg0: memref<32x4096xf32, #tpu.memory_space<vmem>>, %arg1: memref<32x4096xf32, #tpu.memory_space<vmem>>, %arg2: memref<32x4096xf32, #tpu.memory_space<vmem>>, %arg3: memref<32x256xi32, #tpu.memory_space<vmem>>, %arg4: memref<32x256xf32, #tpu.memory_space<vmem>>, %arg5: memref<32x256xf32, #tpu.memory_space<vmem>>, %arg6: memref<32x256xf32, #tpu.memory_space<vmem>>) attributes {dimension_semantics = [], scalar_prefetch = 0 : i64, scratch_operands = 0 : i64, tpu.core_type = #tpu.core_type<tc>} {
    %get3A = arith.constant 0 : index
    %get3A_0 = arith.constant 0 : index
    %get3A_1 = vector.load %arg0[%get3A, %get3A_0] : memref<32x4096xf32, #tpu.memory_space<vmem>>, vector<32x4096xf32>
    %get3A_2 = arith.constant 0 : index
    %get3A_3 = arith.constant 0 : index
    %get3A_4 = vector.load %arg1[%get3A_2, %get3A_3] : memref<32x4096xf32, #tpu.memory_space<vmem>>, vector<32x4096xf32>
    %get3A_5 = arith.constant 0 : index
    %get3A_6 = arith.constant 0 : index
    %get3A_7 = vector.load %arg2[%get3A_5, %get3A_6] : memref<32x4096xf32, #tpu.memory_space<vmem>>, vector<32x4096xf32>
    %iota3A = tpu.iota {dimensions = array<i32: 1>} : vector<32x4096xi32>
    %iota3A_8 = tpu.iota {dimensions = array<i32: 1>} : vector<32x256xi32>
    %broadcast_in_dim3A = arith.constant 0 : i32
    %broadcast_in_dim3A_9 = vector.broadcast %broadcast_in_dim3A : i32 to vector<32x256xi32>
    %swap3A = arith.constant 0 : index
    %swap3A_10 = arith.constant 0 : index
    %swap3A_11 = vector.load %arg3[%swap3A, %swap3A_10] : memref<32x256xi32, #tpu.memory_space<vmem>>, vector<32x256xi32>
    tpu.vector_store %arg3[%swap3A, %swap3A_10], %broadcast_in_dim3A_9 {strides = array<i32>} : memref<32x256xi32, #tpu.memory_space<vmem>>, vector<32x256xi32>,
    %broadcast_in_dim3A_12 = arith.constant 0.000000e+00 : f32
    %broadcast_in_dim3A_13 = vector.broadcast %broadcast_in_dim3A_12 : f32 to vector<32x256xf32>
    %swap3A_14 = arith.constant 0 : index
    %swap3A_15 = arith.constant 0 : index
    %swap3A_16 = vector.load %arg4[%swap3A_14, %swap3A_15] : memref<32x256xf32, #tpu.memory_space<vmem>>, vector<32x256xf32>
    tpu.vector_store %arg4[%swap3A_14, %swap3A_15], %broadcast_in_dim3A_13 {strides = array<i32>} : memref<32x256xf32, #tpu.memory_space<vmem>>, vector<32x256xf32>,
    %broadcast_in_dim3A_17 = arith.constant 0.000000e+00 : f32
    %broadcast_in_dim3A_18 = vector.broadcast %broadcast_in_dim3A_17 : f32 to vector<32x256xf32>
    %swap3A_19 = arith.constant 0 : index
    %swap3A_20 = arith.constant 0 : index
    %swap3A_21 = vector.load %arg5[%swap3A_19, %swap3A_20] : memref<32x256xf32, #tpu.memory_space<vmem>>, vector<32x256xf32>
    tpu.vector_store %arg5[%swap3A_19, %swap3A_20], %broadcast_in_dim3A_18 {strides = array<i32>} : memref<32x256xf32, #tpu.memory_space<vmem>>, vector<32x256xf32>,
    %broadcast_in_dim3A_22 = arith.constant 0.000000e+00 : f32
    %broadcast_in_dim3A_23 = vector.broadcast %broadcast_in_dim3A_22 : f32 to vector<32x256xf32>
    %swap3A_24 = arith.constant 0 : index
    %swap3A_25 = arith.constant 0 : index
    %swap3A_26 = vector.load %arg6[%swap3A_24, %swap3A_25] : memref<32x256xf32, #tpu.memory_space<vmem>>, vector<32x256xf32>
    tpu.vector_store %arg6[%swap3A_24, %swap3A_25], %broadcast_in_dim3A_23 {strides = array<i32>} : memref<32x256xf32, #tpu.memory_space<vmem>>, vector<32x256xf32>,
    %broadcast_in_dim3A_27 = arith.constant 1.000000e+10 : f32
    %broadcast_in_dim3A_28 = vector.broadcast %broadcast_in_dim3A_27 : f32 to vector<32x4096xf32>
    %broadcast_in_dim3A_29 = arith.constant 0 : i32
    %broadcast_in_dim3A_30 = vector.broadcast %broadcast_in_dim3A_29 : i32 to vector<32x1xi32>
    %scan3A = arith.constant 0 : i32
    %scan3A_31 = arith.constant 256 : i32
    %scan3A_32 = arith.addi %scan3A, %scan3A_31 : i32
    %scan3A_33 = arith.constant 1 : i32
    %scan3A_34:2 = scf.for %scan3A_36 = %scan3A to %scan3A_32 step %scan3A_33 iter_args(%scan3A_37 = %broadcast_in_dim3A_28, %scan3A_38 = %broadcast_in_dim3A_30) -> (vector<32x4096xf32>, vector<32x1xi32>)  : i32 {
      %eq3A = vector.broadcast %scan3A_38 : vector<32x1xi32> to vector<32x4096xi32>
      %eq3A_39 = arith.cmpi eq, %iota3A, %eq3A : vector<32x4096xi32>
      %jit3A = arith.constant 0.000000e+00 : f32
      %broadcast_in_dim3A_40 = vector.broadcast %jit3A : f32 to vector<32x4096xf32>
      %select_n3A = arith.select %eq3A_39, %get3A_1, %broadcast_in_dim3A_40 : vector<32x4096xi1>, vector<32x4096xf32>
      %reduce_sum3A = arith.constant dense<0.000000e+00> : vector<32xf32>
      %reduce_sum3A_41 = vector.multi_reduction <add>, %select_n3A, %reduce_sum3A [1] : vector<32x4096xf32> to vector<32xf32>
      %broadcast_in_dim3A_42 = vector.shape_cast %reduce_sum3A_41 : vector<32xf32> to vector<32x1xf32>
      %jit3A_43 = arith.constant 0.000000e+00 : f32
      %broadcast_in_dim3A_44 = vector.broadcast %jit3A_43 : f32 to vector<32x4096xf32>
      %select_n3A_45 = arith.select %eq3A_39, %get3A_4, %broadcast_in_dim3A_44 : vector<32x4096xi1>, vector<32x4096xf32>
      %reduce_sum3A_46 = arith.constant dense<0.000000e+00> : vector<32xf32>
      %reduce_sum3A_47 = vector.multi_reduction <add>, %select_n3A_45, %reduce_sum3A_46 [1] : vector<32x4096xf32> to vector<32xf32>
      %broadcast_in_dim3A_48 = vector.shape_cast %reduce_sum3A_47 : vector<32xf32> to vector<32x1xf32>
      %jit3A_49 = arith.constant 0.000000e+00 : f32
      %broadcast_in_dim3A_50 = vector.broadcast %jit3A_49 : f32 to vector<32x4096xf32>
      %select_n3A_51 = arith.select %eq3A_39, %get3A_7, %broadcast_in_dim3A_50 : vector<32x4096xi1>, vector<32x4096xf32>
      %reduce_sum3A_52 = arith.constant dense<0.000000e+00> : vector<32xf32>
      %reduce_sum3A_53 = vector.multi_reduction <add>, %select_n3A_51, %reduce_sum3A_52 [1] : vector<32x4096xf32> to vector<32xf32>
      %broadcast_in_dim3A_54 = vector.shape_cast %reduce_sum3A_53 : vector<32xf32> to vector<32x1xf32>
      %sub3A = vector.broadcast %broadcast_in_dim3A_42 : vector<32x1xf32> to vector<32x4096xf32>
      %sub3A_55 = arith.subf %get3A_1, %sub3A : vector<32x4096xf32>
      %sub3A_56 = vector.broadcast %broadcast_in_dim3A_48 : vector<32x1xf32> to vector<32x4096xf32>
      %sub3A_57 = arith.subf %get3A_4, %sub3A_56 : vector<32x4096xf32>
      %sub3A_58 = vector.broadcast %broadcast_in_dim3A_54 : vector<32x1xf32> to vector<32x4096xf32>
      %sub3A_59 = arith.subf %get3A_7, %sub3A_58 : vector<32x4096xf32>
      %mul3A = arith.mulf %sub3A_55, %sub3A_55 : vector<32x4096xf32>
      %mul3A_60 = arith.mulf %sub3A_57, %sub3A_57 : vector<32x4096xf32>
      %add3A = arith.addf %mul3A, %mul3A_60 : vector<32x4096xf32>
      %mul3A_61 = arith.mulf %sub3A_59, %sub3A_59 : vector<32x4096xf32>
      %add3A_62 = arith.addf %add3A, %mul3A_61 : vector<32x4096xf32>
      %min3A = arith.minimumf %scan3A_37, %add3A_62 : vector<32x4096xf32>
      %eq3A_63 = vector.broadcast %scan3A_36 : i32 to vector<32x256xi32>
      %eq3A_64 = arith.cmpi eq, %iota3A_8, %eq3A_63 : vector<32x256xi32>
      %convert_element_type3A = arith.extui %eq3A_64 : vector<32x256xi1> to vector<32x256xi32>
      %convert_element_type3A_65 = arith.sitofp %convert_element_type3A : vector<32x256xi32> to vector<32x256xf32>
      %get3A_66 = arith.constant 0 : index
      %get3A_67 = arith.constant 0 : index
      %get3A_68 = vector.load %arg3[%get3A_66, %get3A_67] : memref<32x256xi32, #tpu.memory_space<vmem>>, vector<32x256xi32>
      %mul3A_69 = vector.broadcast %scan3A_38 : vector<32x1xi32> to vector<32x256xi32>
      %mul3A_70 = arith.muli %convert_element_type3A, %mul3A_69 : vector<32x256xi32>
      %add3A_71 = arith.addi %get3A_68, %mul3A_70 : vector<32x256xi32>
      %swap3A_72 = arith.constant 0 : index
      %swap3A_73 = arith.constant 0 : index
      %swap3A_74 = vector.load %arg3[%swap3A_72, %swap3A_73] : memref<32x256xi32, #tpu.memory_space<vmem>>, vector<32x256xi32>
      tpu.vector_store %arg3[%swap3A_72, %swap3A_73], %add3A_71 {strides = array<i32>} : memref<32x256xi32, #tpu.memory_space<vmem>>, vector<32x256xi32>,
      %get3A_75 = arith.constant 0 : index
      %get3A_76 = arith.constant 0 : index
      %get3A_77 = vector.load %arg4[%get3A_75, %get3A_76] : memref<32x256xf32, #tpu.memory_space<vmem>>, vector<32x256xf32>
      %mul3A_78 = vector.broadcast %broadcast_in_dim3A_42 : vector<32x1xf32> to vector<32x256xf32>
      %mul3A_79 = arith.mulf %convert_element_type3A_65, %mul3A_78 : vector<32x256xf32>
      %add3A_80 = arith.addf %get3A_77, %mul3A_79 : vector<32x256xf32>
      %swap3A_81 = arith.constant 0 : index
      %swap3A_82 = arith.constant 0 : index
      %swap3A_83 = vector.load %arg4[%swap3A_81, %swap3A_82] : memref<32x256xf32, #tpu.memory_space<vmem>>, vector<32x256xf32>
      tpu.vector_store %arg4[%swap3A_81, %swap3A_82], %add3A_80 {strides = array<i32>} : memref<32x256xf32, #tpu.memory_space<vmem>>, vector<32x256xf32>,
      %get3A_84 = arith.constant 0 : index
      %get3A_85 = arith.constant 0 : index
      %get3A_86 = vector.load %arg5[%get3A_84, %get3A_85] : memref<32x256xf32, #tpu.memory_space<vmem>>, vector<32x256xf32>
      %mul3A_87 = vector.broadcast %broadcast_in_dim3A_48 : vector<32x1xf32> to vector<32x256xf32>
      %mul3A_88 = arith.mulf %convert_element_type3A_65, %mul3A_87 : vector<32x256xf32>
      %add3A_89 = arith.addf %get3A_86, %mul3A_88 : vector<32x256xf32>
      %swap3A_90 = arith.constant 0 : index
      %swap3A_91 = arith.constant 0 : index
      %swap3A_92 = vector.load %arg5[%swap3A_90, %swap3A_91] : memref<32x256xf32, #tpu.memory_space<vmem>>, vector<32x256xf32>
      tpu.vector_store %arg5[%swap3A_90, %swap3A_91], %add3A_89 {strides = array<i32>} : memref<32x256xf32, #tpu.memory_space<vmem>>, vector<32x256xf32>,
      %get3A_93 = arith.constant 0 : index
      %get3A_94 = arith.constant 0 : index
      %get3A_95 = vector.load %arg6[%get3A_93, %get3A_94] : memref<32x256xf32, #tpu.memory_space<vmem>>, vector<32x256xf32>
      %mul3A_96 = vector.broadcast %broadcast_in_dim3A_54 : vector<32x1xf32> to vector<32x256xf32>
      %mul3A_97 = arith.mulf %convert_element_type3A_65, %mul3A_96 : vector<32x256xf32>
      %add3A_98 = arith.addf %get3A_95, %mul3A_97 : vector<32x256xf32>
      %swap3A_99 = arith.constant 0 : index
      %swap3A_100 = arith.constant 0 : index
      %swap3A_101 = vector.load %arg6[%swap3A_99, %swap3A_100] : memref<32x256xf32, #tpu.memory_space<vmem>>, vector<32x256xf32>
      tpu.vector_store %arg6[%swap3A_99, %swap3A_100], %add3A_98 {strides = array<i32>} : memref<32x256xf32, #tpu.memory_space<vmem>>, vector<32x256xf32>,
      %argmax3A = tpu.reduce_index %min3A {axis = 1 : i32, kind = #tpu.reduction_kind<arg_max>} : vector<32x4096xf32> -> vector<32xi32>
      %broadcast_in_dim3A_102 = vector.shape_cast %argmax3A : vector<32xi32> to vector<32x1xi32>
      scf.yield %min3A, %broadcast_in_dim3A_102 : vector<32x4096xf32>, vector<32x1xi32>
    }
    %scan3A_35 = arith.constant 256 : i32
    return
  }
}

</mosaic_0001>

<sc_bundles>
// kernel: sparse-core-data-format-call.cloned.1.call-start
scs
called_computation_lowered:
.L_overlay_start_0:
0x0: {  	s1 =	sld [smem:$0x3FD9]  }
0x1: {  	s2 =	sld [smem:$0x3FFE];
	_ =	sdelay $0x1  }
0x2: {  	s3 =	srdreg.scid  }
0x3: {  	s0 =	sand.u32 $0x1, s3  }
0x4: {  	s17 =	sshll.u32 s0, $0xA;
	s1 =	sadd.s32 s2, s1  }
0x5: {  	s1 =	sadd.s32 s1, s17  }
0x6: {  	[smem:$0x3FC7] =	sst s1  }
0x7: {  	_ = 	snop  }
0x8: {  	(tm) =	ssettm $0x1  }
0x9: {  	s18 =	sld [smem:$0x3FFB];
	_ =	sdelay $0x3  }
0xa: {  	_ =	strace s18  }
0xb: {  	s1 =	sld [smem:$0x3FFC];
	_ =	sdelay $0x3  }
0xc: {  	_ =	strace s1  }
0xd: {  	s1 =	sld [smem:$0x3FFD];
	_ =	sdelay $0x3  }
0xe: {  	_ =	strace s1  }
0xf: {  	_ =	strace $0x8FFFFFFF  }
0x10: {  	s19 =	sld [smem:$0x3FDB];
	_ =	sdelay $0x1  }
0x11: {  	s20 =	simm.s32 $_scs_section_size  }
0x12: {  	s4 =	simm.s32 $_size__tile_overlayer_lowered;
	s5 =	simm.s32 $_tile_overlayer_lowered  }
0x13: {  	s23 =	simm.s32 $0x1BFF;
	s22 =	sshll.u32 s5, $0x1;
	s1 =	sadd.s32 s20, s19  }
0x14: {  	s6 =	simm.s32 $0x0;
	s21 =	sshll.u32 s4, $0x1;
	s4 =	sadd.s32 s22, s1  }
0x15: {  	[timem:s6], [sflag:s23] =	dma.local [hbm:s4], s21  }
0x16: {  	_ =	swait.ge [sflag:s23], s21  }
0x17: {  	s2 =	ssub.s32 $0x0, s21;
	[sflag:s23] =	ssyncset.done $0x0  }
0x18: {  	[sflag:s23] =	ssyncadd.s32 s2;
	_ =	sdelay $0x1  }
0x19: {  	s24 =	simm.s32 $0x1B8B  }
0x1a: {  	_ =	swait.ge [sflag:s24], $0x1  }
0x1b: {  	[sflag:s24] =	ssyncset.done $0x0  }
0x1c: {  	s26 =	simm.s32 $0x1B8E;
	s25 =	sld [smem:$0x3FFE];
	[sflag:s24] =	ssyncadd.s32 $0xFFFFFFFF  }
0x1d: {  	s27 =	simm.s32 $execute0_lowered;
	[smem:$0x3FD2] =	sst s26  }
0x1e: {  	s4 =	sshll.u32 s27, $0x1;
	_ =	strace $0x80000046;
	[dreg:$0x1] =	wrdreg $0xFFFFFFFF  }
0x1f: {  	s28 =	simm.s32 $_size_execute0_lowered;
	s1 =	sadd.s32 s1, s4;
	[dreg:$0x0] =	wrdreg $0x0  }
0x20: {  	s4 =	sshll.u32 s28, $0x1;
	[dreg:$0x2] =	wrdreg s1  }
0x21: {  	[dreg:$0x3] =	wrdreg s4  }
0x22: {  	[dreg:$0x4] =	wrdreg $0xC0  }
0x23: {  	_ =	task [dreg:s6], $0x5FFFF  }
0x24: {  	[dreg:$0x1] =	wrdreg $0xFFFFFFFF  }
0x25: {  	[dreg:$0x0] =	wrdreg $0x60  }
0x26: {  	[dreg:$0x2] =	wrdreg s25  }
0x27: {  	[dreg:$0x3] =	wrdreg $0x9  }
0x28: {  	_ =	task.clear_ibuf [dreg:s6], $0x4FFFF;
	_ =	strace $0x90000046  }
0x29: {  	s29 =	simm.s32 $0x9;
	_ =	strace $0x80000048  }
0x2a: {  	_ =	swait.ge [sflag:s29], $0x1  }
0x2b: {  	[sflag:s29] =	ssyncadd.s32 $0xFFFFFFFF  }
0x2c: {  	_ =	strace $0x90000048  }
0x2d: {  	_ =	sfence  }
0x2e: {  	s30 =	sld [smem:$0x0];
	_ =	sdelay $0x2  }
0x2f: {  	s31 =	sshll.u32 s3, $0xD;
	s3 =	sshrl.u32 s3, $0x2  }
0x30: {  	s2 =	sand.u32 $0x4000, s31;
	s1 =	sadd.s32 s3, s30  }
0x31: {  	s0 =	sor.u32 s2, s0;
	s1 =	sshll.u32 s1, $0x11  }
0x32: {  	s0 =	sor.u32 s1, s0  }
0x33: {  	s0 =	sadd.s32 $0x8F2B, s0  }
0x34: {  	[sflag:s0] =	ssyncadd.remote.s32 $0x1  }
0x35: {  	_ =	sfence.sel $0xFFFF  }
0x36: {  	[dreg:$0x0] =	wrdreg $0xFFFFFFFF;
	(pc) =	sbr.abs _section_cstart, $3  }
0x37: {  	[dreg:$0x1] =	wrdreg $0xFFFFFFFF  }
0x38: {  	_ =	task.clear_ibuf [dreg:s6], $0x2FFFF;
	_ =	strace $0x9FFFFFFF  }
0x39: {  	(tm) =	ssettm $0x7FFFFFFF  }
tec
execute0_lowered:
.L_overlay_start_1:
0x0: {  	(tag) =	ssettag $0x1  }
0x1: {  	s2 =	rddreg [dreg:$0x0]  }
0x2: {  	s0 =	rddreg [dreg:$0x1]  }
0x3: {  	s1 =	srdreg.scid;
	_ =	strace $0x80000047;
	s6 =	simm.s32 $0x2  }
0x4: {  	s13 =	simm.s32 $0x0;
	p0 =	por $0x0, $0x0;
	s11 =	simm.s32 $0x0  }
.Ltmp0:
0x5: {  	s12 =	simm.s32 $0x0;
	s8 =	simm.s32 $0x0;
	(pc) =	sbr.rel .LBB1_1-.Ltmp0, $4  }
0x6: {  	s9 =	simm.s32 $0x0;
	s7 =	simm.s32 $0x0;
	s4 =	sshll.u32 s1, $0x4  }
0x7: {  	s1 =	stileid.u32;
	s5 =	sand.u32 $0x10, s4;
	s4 =	simm.s32 $0x1  }
0x8: {  	s3 =	sadd.s32 $0x400000, s2;
	s5 =	sor.u32 s1, s5;
	[sflag:s4] =	ssyncpa.u1 $0x0  }
0x9: {  	[sflag:s6] =	ssyncpa.u1 $0x0;
	s6 =	simm.s32 $0x800;
	s10 =	smov.u32 s5  }
.LBB1_5:
0xa: {  	s14 =	sadd.s32 $0x80, s8  }
0xb: {  	s11 =	sadd.s32 $0x80, s9;
	s15 =	smov.u32 s9;
	p2 =	sgt.s32 s14, $0xFFF  }
0xc: {  	s15 =	smov.u32 @p2 s11  }
0xd: {  	s17 =	smov.u32 s10;
	s11 =	sadd.s32 $0x20, s10;
	p3 =	sgt.s32 s15, $0xFF  }
0xe: {  	p1 =	slt.u32 s7, $0x2;
	s17 =	smov.u32 @p3 s11  }
0xf: {  	s7 =	sadd.s32 $0x1, s7;
	s14 =	simm.s32 @p2 $0x0;
	p2 =	sgt.s32 s17, $0x1F  }
0x10: {  	s17 =	smov.u32 @p2 s5;
	p2 =	sne.s32 s7, $0x42  }
.Ltmp1:
0x11: {  	s16 =	simm.s32 @!p1 $0x2;
	(pc) =	sbr.rel @!p2 .LBB1_6-.Ltmp1, $4  }
0x12: {  	s13 =	smov.u32 s8;
	_ =	swait.ge @!p1 [sflag:s16], $0x4000  }
0x13: {  	s12 =	smov.u32 s10;
	p0 =	por !p0, !p0;
	[sflag:s16] =	ssyncset.done @!p1 $0x0  }
0x14: {  	s8 =	smov.u32 s14;
	s15 =	simm.s32 @p3 $0x0;
	s11 =	smov.u32 s9  }
0x15: {  	[sflag:s16] =	ssyncadd.s32 @!p1 $0xFFFFC000;
	s9 =	smov.u32 s15;
	s10 =	smov.u32 s17  }
.LBB1_1:
0x16: {  	p1 =	sgt.u32 s7, $0x3F  }
0x17: {  	s14 =	sxor.u32 @!p1 $0xFFFFFFFF, s7;
	s15 =	sand.u32 @!p1 $0x78, s8;
	s16 =	sshll.u32 @!p1 s9, $0xC  }
0x18: {  	s17 =	sshll.u32 @!p1 s9, $0x7;
	s18 =	sshll.u32 @!p1 s8, $0x3;
	s14 =	sshll.u32 @!p1 s14, $0xE  }
0x19: {  	s16 =	sand.u32 @!p1 $0xF8000, s16;
	s17 =	sand.u32 @!p1 $0x380, s17;
	s14 =	sand.u32 @!p1 $0x4000, s14  }
0x1a: {  	s16 =	sadd.s32 @!p1 s16, s18;
	s18 =	sand.u32 @!p1 $0xC00, s18;
	s15 =	sor.u32 @!p1 s17, s15  }
0x1b: {  	s17 =	sshll.u32 @!p1 s10, $0x11;
	s15 =	sor.u32 @!p1 s18, s15;
	s16 =	sshrl.u32 @!p1 s16, $0x3  }
0x1c: {  	s17 =	sadd.s32 @!p1 s2, s17;
	s18 =	sand.u32 @!p1 $0x7, s8;
	s16 =	sand.u32 @!p1 $0x1FE00, s16  }
0x1d: {  	s15 =	sshrl.u32 @!p1 s15, $0x3;
	s16 =	sadd.s32 @!p1 s16, s17;
	s17 =	sshll.u32 @!p1 s18, $0x12  }
0x1e: {  	s15 =	sadd.s32 @!p1 s15, s16;
	s16 =	sor.u32 @!p1 $0x400, s17;
	s17 =	simm.s32 @!p1 $0x8000  }
0x1f: {  	[tilespmem:s14], [sflag:$0x1] =	stream.strided.gather @!p1 [hbm4b:s15+s16], $0x4000, s17, s16, $0x38;
	[tilespmem:$0x10100] =	vst v63  }
0x20: {  	p1 =	seq.s32 s7, $0x0  }
0x21: {  	p2 =	seq.s32 @!p1 s7, $0x41  }
0x22: {  	p1 =	por p1, p2  }
.Ltmp2:
0x23: {  	_ = 	snop;
	(pc) =	sbr.rel @p1 .LBB1_5-.Ltmp2, $1  }
0x24: {  	_ =	sdelay $0x3  }
0x25: {  	s14 =	simm.s32 $0x1  }
0x26: {  	_ =	swait.ge [sflag:s4], $0x4000;
	s14 =	simm.s32 @!p0 $0x0  }
0x27: {  	[sflag:s4] =	ssyncset.done $0x0;
	s15 =	sshll.u32 s14, $0xE  }
0x28: {  	[sflag:s4] =	ssyncadd.s32 $0xFFFFC000;
	s16 =	sor.u32 $0x40, s15  }
0x29: {  	s14 =	smul.u32 $0x10200, s14;
	v0 =	vld [tilespmem:s16+$0x30]  }
0x2a: {  	v3 =	vld [tilespmem:s16+$0xFFFFFFD0]  }
0x2b: {  	s14 =	sshrl.u32 s14, $0x2;
	v4 =	vld [tilespmem:s16+$0xFFFFFFE0]  }
0x2c: {  	v5 =	vld [tilespmem:s16+$0xFFFFFFF0];
	s15 =	sor.u32 $0x8000, s14  }
0x2d: {  	s31 =	sand.u32 $0x1, s7;
	v1 =	vld [tilespmem:s16+$0x0];
	s17 =	sadd.s32 $0x0, s15  }
0x2e: {  	v2 =	vld [tilespmem:s16+$0x10];
	s14 =	smul.u32 $0x10200, s31;
	[tilespmem:s17+$0x3870 ss:$0x81] =	vst.msk $0xffff, v0  }
0x2f: {  	[tilespmem:s17+$0x810 ss:$0x81] =	vst.msk $0xffff, v3;
	v3 =	vld [tilespmem:s16+$0x20]  }
0x30: {  	s14 =	sshrl.u32 s14, $0x2;
	v0 =	vld [tilespmem:s16+$0xFFFFFFC0];
	[tilespmem:s17+$0x1020 ss:$0x81] =	vst.msk $0xffff, v4;
	s16 =	sadd.s32 $0x80, s16  }
0x31: {  	s18 =	simm.s32 $0x4;
	s19 =	simm.s32 $0x8;
	s14 =	sor.u32 $0x8000, s14;
	[tilespmem:s17+$0x1830 ss:$0x81] =	vst.msk $0xffff, v5;
	v4 =	vld [tilespmem:s16+$0x30]  }
.LBB1_3:
0x32: {  	p1 =	sne.s32 s19, $0x1FC;
	v5 =	vld [tilespmem:s16+$0xFFFFFFD0];
	[tilespmem:s17+$0x2040 ss:$0x81] =	vst.msk $0xffff, v1  }
0x33: {  	v6 =	vld [tilespmem:s16+$0xFFFFFFE0];
	[tilespmem:s17+$0x2850 ss:$0x81] =	vst.msk $0xffff, v2  }
0x34: {  	s20 =	sshra.s32 s18, $0x2;
	s18 =	smov.u32 s19;
	v7 =	vld [tilespmem:s16+$0xFFFFFFF0];
	[tilespmem:s17+$0x3060 ss:$0x81] =	vst.msk $0xffff, v3  }
.Ltmp3:
0x35: {  	v1 =	vld [tilespmem:s16+$0x0];
	[tilespmem:s17+$0x0 ss:$0x81] =	vst.msk $0xffff, v0;
	s17 =	sadd.s32 s20, s15;
	(pc) =	sbr.rel @p1 .LBB1_3-.Ltmp3, $4  }
0x36: {  	v2 =	vld [tilespmem:s16+$0x10];
	[tilespmem:s17+$0x3870 ss:$0x81] =	vst.msk $0xffff, v4  }
0x37: {  	[tilespmem:s17+$0x810 ss:$0x81] =	vst.msk $0xffff, v5;
	v3 =	vld [tilespmem:s16+$0x20]  }
0x38: {  	v0 =	vld [tilespmem:s16+$0xFFFFFFC0];
	[tilespmem:s17+$0x1020 ss:$0x81] =	vst.msk $0xffff, v6;
	s16 =	sadd.s32 $0x80, s16  }
0x39: {  	s19 =	sadd.s32 $0x4, s19;
	v4 =	vld [tilespmem:s16+$0x30];
	[tilespmem:s17+$0x1830 ss:$0x81] =	vst.msk $0xffff, v7  }
0x3a: {  	v5 =	vld [tilespmem:s16+$0xFFFFFFD0];
	[tilespmem:s17+$0x2040 ss:$0x81] =	vst.msk $0xffff, v1  }
0x3b: {  	v58 =	vld [tilespmem:s16+$0xFFFFFFE0];
	[tilespmem:s17+$0x2850 ss:$0x81] =	vst.msk $0xffff, v2  }
0x3c: {  	s18 =	sshra.s32 s18, $0x2;
	v59 =	vld [tilespmem:s16+$0xFFFFFFF0];
	[tilespmem:s17+$0x3060 ss:$0x81] =	vst.msk $0xffff, v3  }
0x3d: {  	v60 =	vld [tilespmem:s16+$0x0];
	s15 =	sadd.s32 s18, s15;
	[tilespmem:s17+$0x0 ss:$0x81] =	vst.msk $0xffff, v0  }
0x3e: {  	v61 =	vld [tilespmem:s16+$0x10];
	s25 =	sshll.u32 s13, $0x8;
	s26 =	sshll.u32 s11, $0x3;
	[tilespmem:s15+$0x3870 ss:$0x81] =	vst.msk $0xffff, v4  }
0x3f: {  	v62 =	vld [tilespmem:s16+$0x20];
	s27 =	sshll.u32 s13, $0x7;
	s30 =	sand.u32 $0x78, s11;
	s12 =	sshll.u32 s12, $0x11;
	[tilespmem:s15+$0x810 ss:$0x81] =	vst.msk $0xffff, v5  }
0x40: {  	v63 =	vld [tilespmem:s16+$0xFFFFFFC0];
	s31 =	sand.u32 $0x7, s11;
	s18 =	sand.u32 $0xFFC00, s26;
	s17 =	sand.u32 $0xFF800, s25;
	[tilespmem:s15+$0x1020 ss:$0x81] =	vst.msk $0xffff, v58  }
0x41: {  	s29 =	sand.u32 $0x300, s27;
	s13 =	sand.u32 $0x80, s27;
	s28 =	sadd.s32 s18, s17;
	[tilespmem:s15+$0x1830 ss:$0x81] =	vst.msk $0xffff, v59  }
.Ltmp4:
0x42: {  	s13 =	sor.u32 s30, s13;
	s16 =	sor.u32 s29, s28;
	[tilespmem:s15+$0x2040 ss:$0x81] =	vst.msk $0xffff, v60;
	(pc) =	sbr.rel .LBB1_5-.Ltmp4, $4  }
0x43: {  	s12 =	sadd.s32 s3, s12;
	s13 =	sshrl.u32 s13, $0x3;
	[tilespmem:s15+$0x2850 ss:$0x81] =	vst.msk $0xffff, v61;
	s16 =	sshrl.u32 s16, $0x3  }
0x44: {  	s11 =	sshll.u32 s31, $0x12;
	s12 =	sadd.s32 s13, s12;
	[tilespmem:s15+$0x3060 ss:$0x81] =	vst.msk $0xffff, v62;
	s16 =	sand.u32 $0x1FFE0, s16  }
0x45: {  	s11 =	sor.u32 $0x400, s11;
	[tilespmem:s15+$0x0 ss:$0x81] =	vst.msk $0xffff, v63;
	s12 =	sadd.s32 s16, s12  }
0x46: {  	[hbm4b:s12+s11] =	stream.strided.scatter [tilespmem:s14], [sflag:$0x2], $0x4000, s6, s11, $0x20;
	[tilespmem:$0x10100] =	vst v63  }
.LBB1_6:
0x47: {  	_ =	sfence.sel $0x180000  }
0x48: {  	s2 =	simm.s32 $0x1;
	[bflag:$0x0] =	sbarrier.arrive $0xFFFF  }
0x49: {  	s31 =	simm.s32 $0x2;
	[sflag:s2] =	ssyncpa.u1 $0x1  }
0x4a: {  	[sflag:s31] =	ssyncpa.u1 $0x1  }
0x4b: {  	p0 =	sne.s32 s1, $0x0;
	_ =	strace $0x90000047  }
0x4c: {  	s0 =	sadd.s32 @!p0 $0x100000, s0;
	[bflag:$0x2] =	sbarrier.arrive $0xFFFF  }
0x4d: {  	[sflag:s0] =	ssyncadd.tile.s32 @!p0 $0x1;
	_ =	shalt  }
.Lfunc_end1:
_tile_overlayer_lowered:
.L_overlay_start_2:
0x4e: {  	(tag) =	ssettag $0x2  }
0x4f: {  	s0 =	rddreg [dreg:$0x0];
	s2 =	stileid.u32  }
0x50: {  	s1 =	rddreg [dreg:$0x1];
	p0 =	sne.s32 s2, $0x0  }
0x51: {  	s3 =	rddreg [dreg:$0x2];
	[bflag:$0x3] =	sbarrier.arrive $0xFFFF;
	s2 =	simm.s32 @!p0 $0x1C01  }
0x52: {  	[timem:s3], [sflag:s2] =	dma.local @!p0 [hbm:s0], s1  }
0x53: {  	s0 =	simm.s32 @!p0 $0x1  }
0x54: {  	_ =	swait.ge @!p0 [sflag:s0], s1  }
0x55: {  	s1 =	ssub.s32 @!p0 $0x0, s1;
	[sflag:s0] =	ssyncset.done @!p0 $0x0  }
0x56: {  	[sflag:s0] =	ssyncadd.s32 @!p0 s1  }
0x57: {  	[bflag:$0x3] =	sbarrier.arrive $0xFFFF  }
0x58: {  	_ =	shalt  }

</sc_bundles>
